<compile_context>
chip_gen: v7x
topology: tpu7x:2x2x1
jax: 0.10.2.dev20260603
libtpu: 0.0.44.dev20260713+nightly
codegen_flags: <defaults>
</compile_context>

<pallas_src>
import jax
import jax.numpy as jnp
from jax import lax
from jax.experimental import pallas as pl
from jax.experimental.pallas import tpu as pltpu
from jax.experimental.pallas import tpu_sc as plsc

B = 16384
L = 32
NC = 2
NS = 16
NW = NC * NS
RPW = B // NW
IC = RPW * L
HC = IC // 2


def _body(x_hbm, w_hbm, pt_hbm, out_hbm,
          idx_v, gath_v, x_v, out_v, psem, sem_a, sem_b):
    wid = lax.axis_index("s") * NC + lax.axis_index("c")
    base = wid * RPW
    sems = [sem_a, sem_b]

    def load_idx_half(h):
        def fire(l, carry):
            pltpu.async_copy(
                pt_hbm.at[l, pl.ds(base, RPW)],
                idx_v.at[pl.ds(pl.multiple_of(l * RPW, 8), RPW)], psem)
            return carry

        lax.fori_loop(h * (L // 2), (h + 1) * (L // 2), fire, 0)
        pltpu.make_async_copy(
            pt_hbm.at[0, pl.ds(0, HC)], idx_v.at[pl.ds(h * HC, HC)],
            psem).wait()

    pltpu.sync_copy(x_hbm.at[pl.ds(base, RPW)], x_v)

    copies = []
    for h in range(2):
        load_idx_half(h)
        copies.append(pltpu.async_copy(
            w_hbm.at[idx_v.at[pl.ds(h * HC, HC)]],
            gath_v.at[pl.ds(h * HC, HC)], sems[h]))

    for h in range(2):
        copies[h].wait()

        def g_body(g, carry):
            row0 = pl.multiple_of(g * 16, 16)

            def l_body(l, acc):
                base4 = pl.multiple_of(h * HC + l * (4 * RPW), 8)
                for j in range(4):
                    acc = acc * gath_v[pl.ds(row0 + base4 + j * RPW, 16)]
                return acc

            init = x_v[pl.ds(row0, 16)] if h == 0 else out_v[pl.ds(row0, 16)]
            acc = lax.fori_loop(0, L // 8, l_body, init)
            out_v[pl.ds(row0, 16)] = acc
            return carry

        lax.fori_loop(0, RPW // 16, g_body, 0)

    pltpu.sync_copy(out_v, out_hbm.at[pl.ds(base, RPW)])


def kernel(x, weights, paths):
    paths_t = paths.astype(jnp.int32).T
    mesh = plsc.VectorSubcoreMesh(core_axis_name="c", subcore_axis_name="s")
    f = pl.kernel(
        _body,
        out_type=jax.ShapeDtypeStruct((B,), jnp.float32),
        mesh=mesh,
        scratch_types=[
            pltpu.VMEM((IC,), jnp.int32),
            pltpu.VMEM((IC,), jnp.float32),
            pltpu.VMEM((RPW,), jnp.float32),
            pltpu.VMEM((RPW,), jnp.float32),
            pltpu.SemaphoreType.DMA,
            pltpu.SemaphoreType.DMA,
            pltpu.SemaphoreType.DMA,
        ],
        compiler_params=pltpu.CompilerParams(needs_layout_passes=False),
    )
    return f(x, weights, paths_t)

# --- scband reference (transcript-rebuilt; emitter-appended) ---
"""Pipeline reference for scband-marble-autograd-layer-79542794322071 (READ-ONLY COPY).

The authoritative reference and input builder live on the scoring server;
editing this copy changes nothing except your own understanding.
"""

import jax, jax.numpy as jnp
import numpy as np

# The original MarbleAutogradLayer wraps a non-tensor 'Brain' object whose
# dynamic_wander walks a path of synapses per scalar input and returns a
# transformed scalar. We model the brain as a flat synapse-weight memory of
# M = 1,000,000 weights. Each of the B = 16384 input scalars traverses a path
# of L = 32 synapses (precomputed index tensor `paths`); the forward output
# is the input scalar scaled by the product of the traversed synapse weights.
# This preserves the core access pattern: per-element gather from a large
# weight memory (forward) and scatter-add of gradients into that memory
# (backward grad buffer), which is exactly the module's _grad_buffer scatter.

M = 1000000
B = 16384
L = 32

def setup_inputs(seed: int = 0) -> dict:
    key = jax.random.key(seed)
    k1, k2, k3 = jax.random.split(key, 3)
    x = jax.random.normal(k1, (B,), dtype=jnp.float32)
    # synapse weights initialized near 1.0 so 32-hop products stay finite
    weights = 1.0 + 0.05 * jax.random.normal(k2, (M,), dtype=jnp.float32)
    paths = jax.random.randint(k3, (B, L), 0, M, dtype=jnp.int64)
    return {"x": x, "weights": weights, "paths": paths}

def reference(x, weights, paths):
    # dynamic_wander per scalar: gather the path's synapse weights from the
    # large weight memory and accumulate the path transfer (product of weights)
    w = jnp.take(weights, paths, axis=0)          # [B, L] gather from memory
    path_gain = jnp.prod(w, axis=1)               # [B]
    out = x * path_gain                           # transformed scalar per element
    return out

if __name__ == "__main__":
    import jax
    _d = setup_inputs()
    print(jax.jit(kernel)(*tuple(_d.values())))

</pallas_src>

<mosaic_0001>
#map = affine_map<(d0, d1) -> (0)>
#map1 = affine_map<(d0, d1) -> (0, 0)>
module attributes {stable_mosaic.version = 14 : i64} {
  func.func @_body(%arg0: i32, %arg1: i32, %arg2: memref<16384xf32, #tpu.memory_space<hbm>>, %arg3: memref<1000000xf32, #tpu.memory_space<hbm>>, %arg4: memref<32x16384xi32, #tpu.memory_space<hbm>>, %arg5: memref<16384xf32, #tpu.memory_space<hbm>>, %arg6: memref<16384xi32, #tpu.memory_space<vmem>>, %arg7: memref<16384xf32, #tpu.memory_space<vmem>>, %arg8: memref<512xf32, #tpu.memory_space<vmem>>, %arg9: memref<512xf32, #tpu.memory_space<vmem>>, %arg10: memref<!tpu.dma_semaphore, #tpu.memory_space<semaphore_mem>>, %arg11: memref<!tpu.dma_semaphore, #tpu.memory_space<semaphore_mem>>, %arg12: memref<!tpu.dma_semaphore, #tpu.memory_space<semaphore_mem>>) attributes {dimension_semantics = [#tpu.dimension_semantics<core_parallel>, #tpu.dimension_semantics<subcore_parallel>], iteration_bounds = array<i64: 2, 16>, scalar_prefetch = 0 : i64, scratch_operands = 7 : i64, tpu.core_type = #tpu.core_type<sc_vector_subcore>, window_params = [{transform_indices = #map}, {transform_indices = #map}, {transform_indices = #map1}, {transform_indices = #map}]} {
    %mul3A = arith.constant 2 : i32
    %mul3A_0 = arith.muli %arg1, %mul3A : i32
    %add3A = arith.addi %mul3A_0, %arg0 : i32
    %mul3A_1 = arith.constant 512 : i32
    %mul3A_2 = arith.muli %add3A, %mul3A_1 : i32
    "tpu.region"() ({
      %run_scoped3A = tpu.sem_alloc : memref<!tpu.dma_semaphore, #tpu.memory_space<semaphore_mem>>
      %dma_start3A_70 = tpu.memref_slice %arg2[%mul3A_2] : memref<16384xf32, #tpu.memory_space<hbm>> -> memref<512xf32, #tpu.memory_space<hbm>>
      %dma_start3A_71 = tpu.memref_slice %arg2[%mul3A_2] : memref<16384xf32, #tpu.memory_space<hbm>> -> memref<512xf32, #tpu.memory_space<hbm>>
      tpu.enqueue_dma source(%dma_start3A_71 : memref<512xf32, #tpu.memory_space<hbm>>) target(%arg8 : memref<512xf32, #tpu.memory_space<vmem>>) target_semaphore(%run_scoped3A : memref<!tpu.dma_semaphore, #tpu.memory_space<semaphore_mem>>)
      %dma_wait3A_72 = tpu.memref_slice %arg2[%mul3A_2] : memref<16384xf32, #tpu.memory_space<hbm>> -> memref<512xf32, #tpu.memory_space<hbm>>
      %dma_wait3A_73 = tpu.memref_slice %arg2[%mul3A_2] : memref<16384xf32, #tpu.memory_space<hbm>> -> memref<512xf32, #tpu.memory_space<hbm>>
      tpu.wait_dma2 semaphore(%run_scoped3A : memref<!tpu.dma_semaphore, #tpu.memory_space<semaphore_mem>>) src(%dma_wait3A_73 : memref<512xf32, #tpu.memory_space<hbm>>) dst(%arg8 : memref<512xf32, #tpu.memory_space<vmem>>)
      tpu.yield
    }) : () -> ()
    %scan3A = arith.constant 0 : i32
    %scan3A_3 = arith.constant 0 : i32
    %scan3A_4 = arith.constant 16 : i32
    %scan3A_5 = arith.addi %scan3A_3, %scan3A_4 : i32
    %scan3A_6 = arith.constant 1 : i32
    scf.for %scan3A_70 = %scan3A_3 to %scan3A_5 step %scan3A_6  : i32 {
      %mul3A_71 = arith.constant 512 : i32
      %mul3A_72 = arith.muli %scan3A_70, %mul3A_71 : i32
      %multiple_of3A = tpu.assume_multiple %mul3A_72, 8 : i32
      %dma_start3A_73 = tpu.memref_slice %arg6[%multiple_of3A] : memref<16384xi32, #tpu.memory_space<vmem>> -> memref<512xi32, #tpu.memory_space<vmem>>
      %dma_start3A_74 = tpu.memref_slice %arg4[%scan3A_70, %mul3A_2] : memref<32x16384xi32, #tpu.memory_space<hbm>> -> memref<1x512xi32, #tpu.memory_space<hbm>>
      %dma_start3A_75 = tpu.memref_squeeze %dma_start3A_74 : memref<1x512xi32, #tpu.memory_space<hbm>> -> memref<512xi32, #tpu.memory_space<hbm>>
      %dma_start3A_76 = tpu.memref_slice %arg6[%multiple_of3A] : memref<16384xi32, #tpu.memory_space<vmem>> -> memref<512xi32, #tpu.memory_space<vmem>>
      %dma_start3A_77 = tpu.memref_slice %arg4[%scan3A_70, %mul3A_2] : memref<32x16384xi32, #tpu.memory_space<hbm>> -> memref<1x512xi32, #tpu.memory_space<hbm>>
      %dma_start3A_78 = tpu.memref_squeeze %dma_start3A_77 : memref<1x512xi32, #tpu.memory_space<hbm>> -> memref<512xi32, #tpu.memory_space<hbm>>
      tpu.enqueue_dma source(%dma_start3A_78 : memref<512xi32, #tpu.memory_space<hbm>>) target(%dma_start3A_76 : memref<512xi32, #tpu.memory_space<vmem>>) target_semaphore(%arg10 : memref<!tpu.dma_semaphore, #tpu.memory_space<semaphore_mem>>)
    }
    %scan3A_7 = arith.constant 16 : i32
    %dma_wait3A = arith.constant 0 : i32
    %dma_wait3A_8 = arith.constant 0 : i32
    %dma_wait3A_9 = tpu.memref_slice %arg6[%dma_wait3A_8] : memref<16384xi32, #tpu.memory_space<vmem>> -> memref<8192xi32, #tpu.memory_space<vmem>>
    %dma_wait3A_10 = arith.constant 0 : i32
    %dma_wait3A_11 = tpu.memref_slice %arg4[%dma_wait3A, %dma_wait3A_10] : memref<32x16384xi32, #tpu.memory_space<hbm>> -> memref<1x8192xi32, #tpu.memory_space<hbm>>
    %dma_wait3A_12 = tpu.memref_squeeze %dma_wait3A_11 : memref<1x8192xi32, #tpu.memory_space<hbm>> -> memref<8192xi32, #tpu.memory_space<hbm>>
    %dma_wait3A_13 = arith.constant 0 : i32
    %dma_wait3A_14 = tpu.memref_slice %arg6[%dma_wait3A_13] : memref<16384xi32, #tpu.memory_space<vmem>> -> memref<8192xi32, #tpu.memory_space<vmem>>
    %dma_wait3A_15 = arith.constant 0 : i32
    %dma_wait3A_16 = tpu.memref_slice %arg4[%dma_wait3A, %dma_wait3A_15] : memref<32x16384xi32, #tpu.memory_space<hbm>> -> memref<1x8192xi32, #tpu.memory_space<hbm>>
    %dma_wait3A_17 = tpu.memref_squeeze %dma_wait3A_16 : memref<1x8192xi32, #tpu.memory_space<hbm>> -> memref<8192xi32, #tpu.memory_space<hbm>>
    tpu.wait_dma2 semaphore(%arg10 : memref<!tpu.dma_semaphore, #tpu.memory_space<semaphore_mem>>) src(%dma_wait3A_17 : memref<8192xi32, #tpu.memory_space<hbm>>) dst(%dma_wait3A_14 : memref<8192xi32, #tpu.memory_space<vmem>>)
    %dma_start3A = arith.constant 0 : i32
    %dma_start3A_18 = tpu.memref_slice %arg7[%dma_start3A] : memref<16384xf32, #tpu.memory_space<vmem>> -> memref<8192xf32, #tpu.memory_space<vmem>>
    %dma_start3A_19 = arith.constant 0 : i32
    %dma_start3A_20 = tpu.memref_slice %arg6[%dma_start3A_19] : memref<16384xi32, #tpu.memory_space<vmem>> -> memref<8192xi32, #tpu.memory_space<vmem>>
    %dma_start3A_21 = arith.constant 0 : i32
    %dma_start3A_22 = tpu.memref_slice %arg3[%dma_start3A_21] : memref<1000000xf32, #tpu.memory_space<hbm>> -> memref<1000000xf32, #tpu.memory_space<hbm>>
    tpu.enqueue_indirect_dma source(%dma_start3A_22 : memref<1000000xf32, #tpu.memory_space<hbm>>) target(%dma_start3A_18 : memref<8192xf32, #tpu.memory_space<vmem>>) offsets(%dma_start3A_20 : memref<8192xi32, #tpu.memory_space<vmem>>) semaphore(%arg11 : memref<!tpu.dma_semaphore, #tpu.memory_space<semaphore_mem>>)
    %scan3A_23 = arith.constant 0 : i32
    %scan3A_24 = arith.constant 16 : i32
    %scan3A_25 = arith.constant 16 : i32
    %scan3A_26 = arith.addi %scan3A_24, %scan3A_25 : i32
    %scan3A_27 = arith.constant 1 : i32
    scf.for %scan3A_70 = %scan3A_24 to %scan3A_26 step %scan3A_27  : i32 {
      %mul3A_71 = arith.constant 512 : i32
      %mul3A_72 = arith.muli %scan3A_70, %mul3A_71 : i32
      %multiple_of3A = tpu.assume_multiple %mul3A_72, 8 : i32
      %dma_start3A_73 = tpu.memref_slice %arg6[%multiple_of3A] : memref<16384xi32, #tpu.memory_space<vmem>> -> memref<512xi32, #tpu.memory_space<vmem>>
      %dma_start3A_74 = tpu.memref_slice %arg4[%scan3A_70, %mul3A_2] : memref<32x16384xi32, #tpu.memory_space<hbm>> -> memref<1x512xi32, #tpu.memory_space<hbm>>
      %dma_start3A_75 = tpu.memref_squeeze %dma_start3A_74 : memref<1x512xi32, #tpu.memory_space<hbm>> -> memref<512xi32, #tpu.memory_space<hbm>>
      %dma_start3A_76 = tpu.memref_slice %arg6[%multiple_of3A] : memref<16384xi32, #tpu.memory_space<vmem>> -> memref<512xi32, #tpu.memory_space<vmem>>
      %dma_start3A_77 = tpu.memref_slice %arg4[%scan3A_70, %mul3A_2] : memref<32x16384xi32, #tpu.memory_space<hbm>> -> memref<1x512xi32, #tpu.memory_space<hbm>>
      %dma_start3A_78 = tpu.memref_squeeze %dma_start3A_77 : memref<1x512xi32, #tpu.memory_space<hbm>> -> memref<512xi32, #tpu.memory_space<hbm>>
      tpu.enqueue_dma source(%dma_start3A_78 : memref<512xi32, #tpu.memory_space<hbm>>) target(%dma_start3A_76 : memref<512xi32, #tpu.memory_space<vmem>>) target_semaphore(%arg10 : memref<!tpu.dma_semaphore, #tpu.memory_space<semaphore_mem>>)
    }
    %scan3A_28 = arith.constant 16 : i32
    %dma_wait3A_29 = arith.constant 0 : i32
    %dma_wait3A_30 = arith.constant 8192 : i32
    %dma_wait3A_31 = tpu.memref_slice %arg6[%dma_wait3A_30] : memref<16384xi32, #tpu.memory_space<vmem>> -> memref<8192xi32, #tpu.memory_space<vmem>>
    %dma_wait3A_32 = arith.constant 0 : i32
    %dma_wait3A_33 = tpu.memref_slice %arg4[%dma_wait3A_29, %dma_wait3A_32] : memref<32x16384xi32, #tpu.memory_space<hbm>> -> memref<1x8192xi32, #tpu.memory_space<hbm>>
    %dma_wait3A_34 = tpu.memref_squeeze %dma_wait3A_33 : memref<1x8192xi32, #tpu.memory_space<hbm>> -> memref<8192xi32, #tpu.memory_space<hbm>>
    %dma_wait3A_35 = arith.constant 8192 : i32
    %dma_wait3A_36 = tpu.memref_slice %arg6[%dma_wait3A_35] : memref<16384xi32, #tpu.memory_space<vmem>> -> memref<8192xi32, #tpu.memory_space<vmem>>
    %dma_wait3A_37 = arith.constant 0 : i32
    %dma_wait3A_38 = tpu.memref_slice %arg4[%dma_wait3A_29, %dma_wait3A_37] : memref<32x16384xi32, #tpu.memory_space<hbm>> -> memref<1x8192xi32, #tpu.memory_space<hbm>>
    %dma_wait3A_39 = tpu.memref_squeeze %dma_wait3A_38 : memref<1x8192xi32, #tpu.memory_space<hbm>> -> memref<8192xi32, #tpu.memory_space<hbm>>
    tpu.wait_dma2 semaphore(%arg10 : memref<!tpu.dma_semaphore, #tpu.memory_space<semaphore_mem>>) src(%dma_wait3A_39 : memref<8192xi32, #tpu.memory_space<hbm>>) dst(%dma_wait3A_36 : memref<8192xi32, #tpu.memory_space<vmem>>)
    %dma_start3A_40 = arith.constant 8192 : i32
    %dma_start3A_41 = tpu.memref_slice %arg7[%dma_start3A_40] : memref<16384xf32, #tpu.memory_space<vmem>> -> memref<8192xf32, #tpu.memory_space<vmem>>
    %dma_start3A_42 = arith.constant 8192 : i32
    %dma_start3A_43 = tpu.memref_slice %arg6[%dma_start3A_42] : memref<16384xi32, #tpu.memory_space<vmem>> -> memref<8192xi32, #tpu.memory_space<vmem>>
    %dma_start3A_44 = arith.constant 0 : i32
    %dma_start3A_45 = tpu.memref_slice %arg3[%dma_start3A_44] : memref<1000000xf32, #tpu.memory_space<hbm>> -> memref<1000000xf32, #tpu.memory_space<hbm>>
    tpu.enqueue_indirect_dma source(%dma_start3A_45 : memref<1000000xf32, #tpu.memory_space<hbm>>) target(%dma_start3A_41 : memref<8192xf32, #tpu.memory_space<vmem>>) offsets(%dma_start3A_43 : memref<8192xi32, #tpu.memory_space<vmem>>) semaphore(%arg12 : memref<!tpu.dma_semaphore, #tpu.memory_space<semaphore_mem>>)
    %dma_wait3A_46 = arith.constant 0 : i32
    %dma_wait3A_47 = tpu.memref_slice %arg7[%dma_wait3A_46] : memref<16384xf32, #tpu.memory_space<vmem>> -> memref<8192xf32, #tpu.memory_space<vmem>>
    %dma_wait3A_48 = arith.constant 0 : i32
    %dma_wait3A_49 = tpu.memref_slice %arg6[%dma_wait3A_48] : memref<16384xi32, #tpu.memory_space<vmem>> -> memref<8192xi32, #tpu.memory_space<vmem>>
    %dma_wait3A_50 = arith.constant 0 : i32
    %dma_wait3A_51 = tpu.memref_slice %arg3[%dma_wait3A_50] : memref<1000000xf32, #tpu.memory_space<hbm>> -> memref<1000000xf32, #tpu.memory_space<hbm>>
    tpu.wait_indirect_dma semaphore(%arg11 : memref<!tpu.dma_semaphore, #tpu.memory_space<semaphore_mem>>) src(%dma_wait3A_51 : memref<1000000xf32, #tpu.memory_space<hbm>>) dst(%dma_wait3A_47 : memref<8192xf32, #tpu.memory_space<vmem>>)
    %scan3A_52 = arith.constant 0 : i32
    %scan3A_53 = arith.constant 0 : i32
    %scan3A_54 = arith.constant 32 : i32
    %scan3A_55 = arith.addi %scan3A_53, %scan3A_54 : i32
    %scan3A_56 = arith.constant 1 : i32
    scf.for %scan3A_70 = %scan3A_53 to %scan3A_55 step %scan3A_56  : i32 {
      %mul3A_71 = arith.constant 16 : i32
      %mul3A_72 = arith.muli %scan3A_70, %mul3A_71 : i32
      %multiple_of3A = tpu.assume_multiple %mul3A_72, 16 : i32
      %get3A = arith.index_cast %multiple_of3A : i32 to index
      %get3A_73 = tpu.vector_load %arg8[%get3A] {strides = array<i32>} : memref<512xf32, #tpu.memory_space<vmem>>, vector<16xf32>,
      %scan3A_74 = arith.constant 0 : i32
      %scan3A_75 = arith.constant 4 : i32
      %scan3A_76 = arith.addi %scan3A_74, %scan3A_75 : i32
      %scan3A_77 = arith.constant 1 : i32
      %scan3A_78 = scf.for %scan3A_81 = %scan3A_74 to %scan3A_76 step %scan3A_77 iter_args(%scan3A_82 = %get3A_73) -> (vector<16xf32>)  : i32 {
        %mul3A_83 = arith.constant 2048 : i32
        %mul3A_84 = arith.muli %scan3A_81, %mul3A_83 : i32
        %add3A_85 = arith.constant 0 : i32
        %add3A_86 = arith.addi %add3A_85, %mul3A_84 : i32
        %multiple_of3A_87 = tpu.assume_multiple %add3A_86, 8 : i32
        %add3A_88 = arith.addi %multiple_of3A, %multiple_of3A_87 : i32
        %add3A_89 = arith.constant 0 : i32
        %add3A_90 = arith.addi %add3A_88, %add3A_89 : i32
        %get3A_91 = arith.index_cast %add3A_90 : i32 to index
        %get3A_92 = tpu.vector_load %arg7[%get3A_91] {strides = array<i32>} : memref<16384xf32, #tpu.memory_space<vmem>>, vector<16xf32>,
        %mul3A_93 = arith.mulf %scan3A_82, %get3A_92 : vector<16xf32>
        %add3A_94 = arith.addi %multiple_of3A, %multiple_of3A_87 : i32
        %add3A_95 = arith.constant 512 : i32
        %add3A_96 = arith.addi %add3A_94, %add3A_95 : i32
        %get3A_97 = arith.index_cast %add3A_96 : i32 to index
        %get3A_98 = tpu.vector_load %arg7[%get3A_97] {strides = array<i32>} : memref<16384xf32, #tpu.memory_space<vmem>>, vector<16xf32>,
        %mul3A_99 = arith.mulf %mul3A_93, %get3A_98 : vector<16xf32>
        %add3A_100 = arith.addi %multiple_of3A, %multiple_of3A_87 : i32
        %add3A_101 = arith.constant 1024 : i32
        %add3A_102 = arith.addi %add3A_100, %add3A_101 : i32
        %get3A_103 = arith.index_cast %add3A_102 : i32 to index
        %get3A_104 = tpu.vector_load %arg7[%get3A_103] {strides = array<i32>} : memref<16384xf32, #tpu.memory_space<vmem>>, vector<16xf32>,
        %mul3A_105 = arith.mulf %mul3A_99, %get3A_104 : vector<16xf32>
        %add3A_106 = arith.addi %multiple_of3A, %multiple_of3A_87 : i32
        %add3A_107 = arith.constant 1536 : i32
        %add3A_108 = arith.addi %add3A_106, %add3A_107 : i32
        %get3A_109 = arith.index_cast %add3A_108 : i32 to index
        %get3A_110 = tpu.vector_load %arg7[%get3A_109] {strides = array<i32>} : memref<16384xf32, #tpu.memory_space<vmem>>, vector<16xf32>,
        %mul3A_111 = arith.mulf %mul3A_105, %get3A_110 : vector<16xf32>
        scf.yield %mul3A_111 : vector<16xf32>
      }
      %scan3A_79 = arith.constant 4 : i32
      %swap3A = arith.index_cast %multiple_of3A : i32 to index
      %swap3A_80 = tpu.vector_load %arg9[%swap3A] {strides = array<i32>} : memref<512xf32, #tpu.memory_space<vmem>>, vector<16xf32>,
      tpu.vector_store %arg9[%swap3A], %scan3A_78 {strides = array<i32>} : memref<512xf32, #tpu.memory_space<vmem>>, vector<16xf32>,
    }
    %scan3A_57 = arith.constant 32 : i32
    %dma_wait3A_58 = arith.constant 8192 : i32
    %dma_wait3A_59 = tpu.memref_slice %arg7[%dma_wait3A_58] : memref<16384xf32, #tpu.memory_space<vmem>> -> memref<8192xf32, #tpu.memory_space<vmem>>
    %dma_wait3A_60 = arith.constant 8192 : i32
    %dma_wait3A_61 = tpu.memref_slice %arg6[%dma_wait3A_60] : memref<16384xi32, #tpu.memory_space<vmem>> -> memref<8192xi32, #tpu.memory_space<vmem>>
    %dma_wait3A_62 = arith.constant 0 : i32
    %dma_wait3A_63 = tpu.memref_slice %arg3[%dma_wait3A_62] : memref<1000000xf32, #tpu.memory_space<hbm>> -> memref<1000000xf32, #tpu.memory_space<hbm>>
    tpu.wait_indirect_dma semaphore(%arg12 : memref<!tpu.dma_semaphore, #tpu.memory_space<semaphore_mem>>) src(%dma_wait3A_63 : memref<1000000xf32, #tpu.memory_space<hbm>>) dst(%dma_wait3A_59 : memref<8192xf32, #tpu.memory_space<vmem>>)
    %scan3A_64 = arith.constant 0 : i32
    %scan3A_65 = arith.constant 0 : i32
    %scan3A_66 = arith.constant 32 : i32
    %scan3A_67 = arith.addi %scan3A_65, %scan3A_66 : i32
    %scan3A_68 = arith.constant 1 : i32
    scf.for %scan3A_70 = %scan3A_65 to %scan3A_67 step %scan3A_68  : i32 {
      %mul3A_71 = arith.constant 16 : i32
      %mul3A_72 = arith.muli %scan3A_70, %mul3A_71 : i32
      %multiple_of3A = tpu.assume_multiple %mul3A_72, 16 : i32
      %get3A = arith.index_cast %multiple_of3A : i32 to index
      %get3A_73 = tpu.vector_load %arg9[%get3A] {strides = array<i32>} : memref<512xf32, #tpu.memory_space<vmem>>, vector<16xf32>,
      %scan3A_74 = arith.constant 0 : i32
      %scan3A_75 = arith.constant 4 : i32
      %scan3A_76 = arith.addi %scan3A_74, %scan3A_75 : i32
      %scan3A_77 = arith.constant 1 : i32
      %scan3A_78 = scf.for %scan3A_81 = %scan3A_74 to %scan3A_76 step %scan3A_77 iter_args(%scan3A_82 = %get3A_73) -> (vector<16xf32>)  : i32 {
        %mul3A_83 = arith.constant 2048 : i32
        %mul3A_84 = arith.muli %scan3A_81, %mul3A_83 : i32
        %add3A_85 = arith.constant 8192 : i32
        %add3A_86 = arith.addi %add3A_85, %mul3A_84 : i32
        %multiple_of3A_87 = tpu.assume_multiple %add3A_86, 8 : i32
        %add3A_88 = arith.addi %multiple_of3A, %multiple_of3A_87 : i32
        %add3A_89 = arith.constant 0 : i32
        %add3A_90 = arith.addi %add3A_88, %add3A_89 : i32
        %get3A_91 = arith.index_cast %add3A_90 : i32 to index
        %get3A_92 = tpu.vector_load %arg7[%get3A_91] {strides = array<i32>} : memref<16384xf32, #tpu.memory_space<vmem>>, vector<16xf32>,
        %mul3A_93 = arith.mulf %scan3A_82, %get3A_92 : vector<16xf32>
        %add3A_94 = arith.addi %multiple_of3A, %multiple_of3A_87 : i32
        %add3A_95 = arith.constant 512 : i32
        %add3A_96 = arith.addi %add3A_94, %add3A_95 : i32
        %get3A_97 = arith.index_cast %add3A_96 : i32 to index
        %get3A_98 = tpu.vector_load %arg7[%get3A_97] {strides = array<i32>} : memref<16384xf32, #tpu.memory_space<vmem>>, vector<16xf32>,
        %mul3A_99 = arith.mulf %mul3A_93, %get3A_98 : vector<16xf32>
        %add3A_100 = arith.addi %multiple_of3A, %multiple_of3A_87 : i32
        %add3A_101 = arith.constant 1024 : i32
        %add3A_102 = arith.addi %add3A_100, %add3A_101 : i32
        %get3A_103 = arith.index_cast %add3A_102 : i32 to index
        %get3A_104 = tpu.vector_load %arg7[%get3A_103] {strides = array<i32>} : memref<16384xf32, #tpu.memory_space<vmem>>, vector<16xf32>,
        %mul3A_105 = arith.mulf %mul3A_99, %get3A_104 : vector<16xf32>
        %add3A_106 = arith.addi %multiple_of3A, %multiple_of3A_87 : i32
        %add3A_107 = arith.constant 1536 : i32
        %add3A_108 = arith.addi %add3A_106, %add3A_107 : i32
        %get3A_109 = arith.index_cast %add3A_108 : i32 to index
        %get3A_110 = tpu.vector_load %arg7[%get3A_109] {strides = array<i32>} : memref<16384xf32, #tpu.memory_space<vmem>>, vector<16xf32>,
        %mul3A_111 = arith.mulf %mul3A_105, %get3A_110 : vector<16xf32>
        scf.yield %mul3A_111 : vector<16xf32>
      }
      %scan3A_79 = arith.constant 4 : i32
      %swap3A = arith.index_cast %multiple_of3A : i32 to index
      %swap3A_80 = tpu.vector_load %arg9[%swap3A] {strides = array<i32>} : memref<512xf32, #tpu.memory_space<vmem>>, vector<16xf32>,
      tpu.vector_store %arg9[%swap3A], %scan3A_78 {strides = array<i32>} : memref<512xf32, #tpu.memory_space<vmem>>, vector<16xf32>,
    }
    %scan3A_69 = arith.constant 32 : i32
    "tpu.region"() ({
      %run_scoped3A = tpu.sem_alloc : memref<!tpu.dma_semaphore, #tpu.memory_space<semaphore_mem>>
      %dma_start3A_70 = tpu.memref_slice %arg5[%mul3A_2] : memref<16384xf32, #tpu.memory_space<hbm>> -> memref<512xf32, #tpu.memory_space<hbm>>
      %dma_start3A_71 = tpu.memref_slice %arg5[%mul3A_2] : memref<16384xf32, #tpu.memory_space<hbm>> -> memref<512xf32, #tpu.memory_space<hbm>>
      tpu.enqueue_dma source(%arg9 : memref<512xf32, #tpu.memory_space<vmem>>) target(%dma_start3A_71 : memref<512xf32, #tpu.memory_space<hbm>>) target_semaphore(%run_scoped3A : memref<!tpu.dma_semaphore, #tpu.memory_space<semaphore_mem>>)
      %dma_wait3A_72 = tpu.memref_slice %arg5[%mul3A_2] : memref<16384xf32, #tpu.memory_space<hbm>> -> memref<512xf32, #tpu.memory_space<hbm>>
      %dma_wait3A_73 = tpu.memref_slice %arg5[%mul3A_2] : memref<16384xf32, #tpu.memory_space<hbm>> -> memref<512xf32, #tpu.memory_space<hbm>>
      tpu.wait_dma2 semaphore(%run_scoped3A : memref<!tpu.dma_semaphore, #tpu.memory_space<semaphore_mem>>) src(%arg9 : memref<512xf32, #tpu.memory_space<vmem>>) dst(%dma_wait3A_73 : memref<512xf32, #tpu.memory_space<hbm>>)
      tpu.yield
    }) : () -> ()
    return
  }
}

</mosaic_0001>

<sc_bundles>
// kernel: kernel.3.cloned.1.call-start
scs
__scs_entry_jumppad:
0x0: {  	(pc) =	sbr.rel $0x88, $3  }
0x1: {  	(tag) =	ssettag $0x0;
	lr =	simm.s32 $0x1  }
0x2: {  	[smem:$0x3F9E] =	sst lr;
	_ =	strace $0xD0000000  }
0x3: {  	_ = 	snop  }
0x4: {  	_ = 	snop  }
0x5: {  	_ = 	snop  }
0x6: {  	_ = 	snop  }
0x7: {  	_ = 	snop  }
__scs_overlays_trampoline_lowered:
0x8: {  	[smem:$0x3FAD] =	sst s0  }
0x9: {  	[smem:$0x3FAE] =	sst s1  }
0xa: {  	[smem:$0x3FAF] =	sst s2  }
0xb: {  	[smem:$0x3FB0] =	sst s3  }
0xc: {  	[smem:$0x3FB1] =	sst s4  }
0xd: {  	[smem:$0x3FB2] =	sst s5  }
0xe: {  	[smem:$0x3FB3] =	sst s6  }
0xf: {  	[smem:$0x3FB4] =	sst s7  }
0x10: {  	[smem:$0x3FB5] =	sst s8  }
0x11: {  	[smem:$0x3FB6] =	sst s9;
	s0 =	simm.s32 @!p0 $0x0  }
0x12: {  	s1 =	sld [smem:$0x3F9C];
	s0 =	simm.s32 @p0 $0x1  }
0x13: {  	[smem:$0x3FB7] =	sst s0;
	s0 =	simm.s32 @!p1 $0x0  }
0x14: {  	s2 =	sld [smem:$0x3F9B];
	s0 =	simm.s32 @p1 $0x1  }
0x15: {  	[smem:$0x3FB8] =	sst s0;
	s0 =	simm.s32 @!p2 $0x0  }
0x16: {  	s3 =	sld [smem:$0x3FDB];
	s0 =	simm.s32 @p2 $0x1  }
0x17: {  	s4 =	simm.s32 $0x1BF5;
	[smem:$0x3FBA] =	sst s0  }
0x18: {  	s0 =	sld [smem:$0x3F9D];
	_ =	swait.ge [sflag:s4], $0x0  }
0x19: {  	s7 =	sld [smem:$0x3F9E]  }
0x1a: {  	s8 =	sadd.s32 $0xFFFFE003, lr  }
0x1b: {  	s9 =	sadd.s32 $0xFFFFFEF7, lr;
	s5 =	simm.s32 $0xFFFFFFFF;
	p2 =	slt.u32 s8, $0xFFFFF086  }
0x1c: {  	p1 =	slt.u32 s9, $0xF7A;
	s5 =	simm.s32 @!p2 $0x0  }
0x1d: {  	s5 =	simm.s32 @p1 $0x1;
	p0 =	seq.s32 s7, s2  }
0x1e: {  	s7 =	smul.u32 @!p0 $0xF7A, s2;
	p2 =	seq.s32 @!p0 s5, $0x0  }
0x1f: {  	s9 =	smul.u32 $0xF7A, s1;
	s8 =	simm.s32 @!p0 $0x1BF5;
	p2 =	por !p2, p0  }
0x20: {  	[sflag:s8] =	ssyncset.s32 @!p0 $0xFFFFF086;
	s6 =	sadd.s32 @!p0 s3, s7;
	s7 =	simm.s32 @!p0 $0x108  }
0x21: {  	s3 =	sadd.s32 s3, s9;
	s6 =	sadd.s32 @!p0 $0x88, s6;
	s7 =	simm.s32 @p2 $0x1082  }
0x22: {  	[simem:s7], [sflag:s8] =	dma.local @!p0 [hbm:s6], $0xF7A  }
0x23: {  	s9 =	sor.u32 $0xD0000000, s2;
	s6 =	simm.s32 $0x108;
	_ =	swait.ge @!p0 [sflag:s8], $0x0  }
0x24: {  	s3 =	sadd.s32 $0x88, s3;
	s6 =	simm.s32 @!p1 $0x1082;
	[sflag:s4] =	ssyncset.s32 $0xFFFFF086  }
0x25: {  	[simem:s6], [sflag:s4] =	dma.local [hbm:s3], $0xF7A  }
0x26: {  	[smem:$0x3F9E] =	sst s1;
	(tag) =	ssettag s2;
	_ =	strace s9  }
0x27: {  	s1 =	sld [smem:$0x3FAE]  }
0x28: {  	s2 =	sld [smem:$0x3FAF]  }
0x29: {  	s4 =	sld [smem:$0x3FB1]  }
0x2a: {  	p0 =	seq.s32 s5, $0x0;
	s5 =	sld [smem:$0x3FB2]  }
0x2b: {  	s6 =	sld [smem:$0x3FB3]  }
0x2c: {  	s7 =	sld [smem:$0x3FB4]  }
0x2d: {  	s3 =	simm.s32 $0x108;
	s8 =	sld [smem:$0x3FB5]  }
0x2e: {  	s3 =	simm.s32 @!p0 $0x1082;
	s9 =	sld [smem:$0x3FB6]  }
0x2f: {  	lr =	sadd.s32 s0, s3;
	s0 =	sld [smem:$0x3FAD]  }
0x30: {  	s3 =	sld [smem:$0x3FB0]  }
0x31: {  	[smem:$0x3FB9] =	sst s10  }
0x32: {  	s10 =	sld [smem:$0x3FB7];
	_ =	sdelay $0x3  }
0x33: {  	p0 =	seq.s32 s10, $0x1;
	s10 =	sld [smem:$0x3FB9];
	_ =	sdelay $0x3  }
0x34: {  	[smem:$0x3FB9] =	sst s10  }
0x35: {  	s10 =	sld [smem:$0x3FB8];
	_ =	sdelay $0x3  }
0x36: {  	p1 =	seq.s32 s10, $0x1;
	s10 =	sld [smem:$0x3FB9];
	_ =	sdelay $0x3  }
0x37: {  	[smem:$0x3FB9] =	sst s10  }
0x38: {  	s10 =	sld [smem:$0x3FBA]  }
0x39: {  	_ = 	snop;
	(pc) =	sbr.ind lr, $3  }
0x3a: {  	_ = 	snop  }
0x3b: {  	_ = 	snop  }
0x3c: {  	p2 =	seq.s32 s10, $0x1;
	s10 =	sld [smem:$0x3FB9]  }
0x3d: {  	_ =	shalt  }
0x3e: {  	_ =	shalt  }
0x3f: {  	_ =	shalt  }
0x40: {  	_ =	shalt  }
0x41: {  	_ =	shalt  }
0x42: {  	_ =	shalt  }
0x43: {  	_ =	shalt  }
0x44: {  	_ =	shalt  }
0x45: {  	_ =	shalt  }
0x46: {  	_ =	shalt  }
0x47: {  	_ =	shalt  }
0x48: {  	_ =	shalt  }
0x49: {  	_ =	shalt  }
0x4a: {  	_ =	shalt  }
0x4b: {  	_ =	shalt  }
0x4c: {  	_ =	shalt  }
0x4d: {  	_ =	shalt  }
0x4e: {  	_ =	shalt  }
0x4f: {  	_ =	shalt  }
0x50: {  	_ =	shalt  }
0x51: {  	_ =	shalt  }
0x52: {  	_ =	shalt  }
0x53: {  	_ =	shalt  }
0x54: {  	_ =	shalt  }
0x55: {  	_ =	shalt  }
0x56: {  	_ =	shalt  }
0x57: {  	_ =	shalt  }
0x58: {  	_ =	shalt  }
0x59: {  	_ =	shalt  }
0x5a: {  	_ =	shalt  }
0x5b: {  	_ =	shalt  }
0x5c: {  	_ =	shalt  }
0x5d: {  	_ =	shalt  }
0x5e: {  	_ =	shalt  }
0x5f: {  	_ =	shalt  }
0x60: {  	_ =	shalt  }
0x61: {  	_ =	shalt  }
0x62: {  	_ =	shalt  }
0x63: {  	_ =	shalt  }
0x64: {  	_ =	shalt  }
0x65: {  	_ =	shalt  }
0x66: {  	_ =	shalt  }
0x67: {  	_ =	shalt  }
0x68: {  	_ =	shalt  }
0x69: {  	_ =	shalt  }
0x6a: {  	_ =	shalt  }
0x6b: {  	_ =	shalt  }
0x6c: {  	_ =	shalt  }
0x6d: {  	_ =	shalt  }
0x6e: {  	_ =	shalt  }
0x6f: {  	_ =	shalt  }
0x70: {  	_ =	shalt  }
0x71: {  	_ =	shalt  }
0x72: {  	_ =	shalt  }
0x73: {  	_ =	shalt  }
0x74: {  	_ =	shalt  }
0x75: {  	_ =	shalt  }
0x76: {  	_ =	shalt  }
0x77: {  	_ =	shalt  }
0x78: {  	_ =	shalt  }
0x79: {  	_ =	shalt  }
0x7a: {  	_ =	shalt  }
0x7b: {  	_ =	shalt  }
0x7c: {  	_ =	shalt  }
0x7d: {  	_ =	shalt  }
0x7e: {  	_ =	shalt  }
0x7f: {  	_ =	shalt  }
0x80: {  	_ =	shalt  }
0x81: {  	_ =	shalt  }
0x82: {  	_ =	shalt  }
0x83: {  	_ =	shalt  }
0x84: {  	_ =	shalt  }
0x85: {  	_ =	shalt  }
0x86: {  	_ =	shalt  }
0x87: {  	_ =	shalt  }
.Lfunc_end0:
.L_simem_size_0:
called_computation_lowered:
.L_overlay_start_0:
0x88: {  	s2 =	sld [smem:$0x3FD9]  }
0x89: {  	s3 =	sld [smem:$0x3FFE];
	_ =	sdelay $0x1  }
0x8a: {  	s1 =	srdreg.scid  }
0x8b: {  	s0 =	sand.u32 $0x1, s1  }
0x8c: {  	s18 =	sshll.u32 s0, $0xA;
	s2 =	sadd.s32 s3, s2  }
0x8d: {  	s2 =	sadd.s32 s2, s18  }
0x8e: {  	[smem:$0x3FC5] =	sst s2  }
0x8f: {  	_ = 	snop  }
0x90: {  	s2 =	sld [smem:$0x3FC9]  }
0x91: {  	s19 =	sld [smem:$0x3FC8]  }
0x92: {  	s4 =	sld [smem:$0x3FC7]  }
0x93: {  	s5 =	sld [smem:$0x3FD0];
	(tm) =	ssettm $0x1  }
0x94: {  	s6 =	sld [smem:$0x3FFB];
	_ =	sdelay $0x3  }
0x95: {  	_ =	strace s6  }
0x96: {  	s6 =	sld [smem:$0x3FFC];
	_ =	sdelay $0x3  }
0x97: {  	_ =	strace s6  }
0x98: {  	s6 =	sld [smem:$0x3FFD];
	_ =	sdelay $0x3  }
0x99: {  	_ =	strace s6  }
0x9a: {  	_ =	strace $0x8FFFFFFF  }
0x9b: {  	s20 =	sld [smem:$0x3FDB];
	_ =	sdelay $0x1  }
0x9c: {  	s7 =	simm.s32 $_scs_section_size  }
0x9d: {  	s8 =	simm.s32 $_size__tile_overlayer_lowered;
	s9 =	simm.s32 $_tile_overlayer_lowered  }
0x9e: {  	s23 =	simm.s32 $0x1BFF;
	s22 =	sshll.u32 s9, $0x1;
	s6 =	sadd.s32 s7, s20  }
0x9f: {  	s10 =	simm.s32 $0x0;
	s21 =	sshll.u32 s8, $0x1;
	s8 =	sadd.s32 s22, s6  }
0xa0: {  	[timem:s10], [sflag:s23] =	dma.local [hbm:s8], s21  }
0xa1: {  	_ =	swait.ge [sflag:s23], s21  }
0xa2: {  	s7 =	ssub.s32 $0x0, s21;
	[sflag:s23] =	ssyncset.done $0x0  }
0xa3: {  	[sflag:s23] =	ssyncadd.s32 s7;
	_ =	sdelay $0x1  }
0xa4: {  	s24 =	simm.s32 $0x1B8B  }
0xa5: {  	_ =	swait.ge [sflag:s24], $0x1  }
0xa6: {  	[sflag:s24] =	ssyncset.done $0x0  }
0xa7: {  	s25 =	simm.s32 $0x1B8E;
	[sflag:s24] =	ssyncadd.s32 $0xFFFFFFFF  }
0xa8: {  	s26 =	simm.s32 $execute0_lowered;
	[smem:$0x3FD2] =	sst s25  }
0xa9: {  	s7 =	sshll.u32 s26, $0x1;
	_ =	strace $0x80000046;
	[dreg:$0x1] =	wrdreg $0xFFFFFFFF  }
0xaa: {  	s28 =	simm.s32 $_size_execute0_lowered;
	s6 =	sadd.s32 s6, s7;
	[dreg:$0x0] =	wrdreg $0x0  }
0xab: {  	s7 =	sshll.u32 s28, $0x1;
	[dreg:$0x2] =	wrdreg s6  }
0xac: {  	[dreg:$0x3] =	wrdreg s7  }
0xad: {  	[dreg:$0x4] =	wrdreg $0xC0  }
0xae: {  	_ =	task [dreg:s10], $0x5FFFF  }
0xaf: {  	[dreg:$0x1] =	wrdreg $0xFFFFFFFF  }
0xb0: {  	[dreg:$0x0] =	wrdreg $0x60  }
0xb1: {  	[dreg:$0x2] =	wrdreg s2  }
0xb2: {  	[dreg:$0x3] =	wrdreg s19  }
0xb3: {  	[dreg:$0x4] =	wrdreg s4  }
0xb4: {  	[dreg:$0x5] =	wrdreg s5  }
0xb5: {  	[dreg:$0x6] =	wrdreg $0x9  }
0xb6: {  	_ =	task.clear_ibuf [dreg:s10], $0x7FFFF;
	_ =	strace $0x90000046  }
0xb7: {  	s29 =	simm.s32 $0x9;
	_ =	strace $0x80000048  }
0xb8: {  	_ =	swait.ge [sflag:s29], $0x1  }
0xb9: {  	[sflag:s29] =	ssyncadd.s32 $0xFFFFFFFF  }
0xba: {  	_ =	strace $0x90000048  }
0xbb: {  	_ =	sfence  }
0xbc: {  	s30 =	sld [smem:$0x0];
	_ =	sdelay $0x2  }
0xbd: {  	s31 =	sshll.u32 s1, $0xD;
	s1 =	sshrl.u32 s1, $0x2  }
0xbe: {  	s3 =	sand.u32 $0x4000, s31;
	s1 =	sadd.s32 s1, s30  }
0xbf: {  	s0 =	sor.u32 s3, s0;
	s1 =	sshll.u32 s1, $0x11  }
0xc0: {  	s0 =	sor.u32 s1, s0  }
0xc1: {  	s0 =	sadd.s32 $0x8F2B, s0  }
0xc2: {  	[sflag:s0] =	ssyncadd.remote.s32 $0x1  }
0xc3: {  	_ =	sfence.sel $0xFFFF  }
0xc4: {  	[dreg:$0x0] =	wrdreg $0xFFFFFFFF;
	(pc) =	sbr.abs _section_cstart, $3  }
0xc5: {  	[dreg:$0x1] =	wrdreg $0xFFFFFFFF  }
0xc6: {  	_ =	task.clear_ibuf [dreg:s10], $0x2FFFF;
	_ =	strace $0x9FFFFFFF  }
0xc7: {  	(tm) =	ssettm $0x7FFFFFFF  }
tec
execute0_lowered:
.L_overlay_start_1:
0x0: {  	(tag) =	ssettag $0x1  }
0x1: {  	s4 =	rddreg [dreg:$0x0]  }
0x2: {  	s2 =	rddreg [dreg:$0x1]  }
0x3: {  	s5 =	rddreg [dreg:$0x2];
	s0 =	srdreg.scid  }
0x4: {  	s6 =	rddreg [dreg:$0x3];
	s1 =	stileid.u32;
	s3 =	simm.s32 $0x0  }
0x5: {  	s11 =	simm.s32 $0x400;
	s12 =	simm.s32 $0x1;
	s13 =	simm.s32 $0x2000  }
0x6: {  	s14 =	simm.s32 $0x4000;
	s15 =	simm.s32 $0x6000;
	s16 =	simm.s32 $0x2  }
0x7: {  	s17 =	simm.s32 $0x3;
	s18 =	simm.s32 $0x8200;
	s19 =	simm.s32 $0x0  }
0x8: {  	s7 =	sand.u32 $0x1, s0;
	s0 =	rddreg [dreg:$0x4];
	s8 =	sshll.u32 s1, $0xA  }
0x9: {  	[smem:$0x7FF] =	sst s3;
	s9 =	sshll.u32 s7, $0x9;
	s7 =	ssub.s32 $0x2, s7  }
0xa: {  	_ =	strace $0x80000047;
	s8 =	sor.u32 s9, s8;
	s31 =	sshrl.u32 s7, $0x1  }
0xb: {  	s9 =	simm.s32 $0x4;
	s10 =	sshrl.u32 s8, $0x3;
	s7 =	ssub.s32 s7, s31  }
0xc: {  	s5 =	sadd.s32 s5, s8;
	s8 =	simm.s32 $0x8000;
	s4 =	sadd.s32 s4, s10  }
0xd: {  	s6 =	sadd.s32 s6, s10;
	s7 =	smax.u32 s7, $0x1;
	s10 =	simm.s32 $0x80  }
.LBB2_1:
0xe: {  	[tilespmem:s8], [sflag:$0x4] =	stream.linear.gather [hbm4b:s4+s3], $0x200, $0x38;
	[tilespmem:$0x8400] =	vst v63  }
0xf: {  	s20 =	sand.u32 $0x4000, s3;
	s21 =	sand.u32 $0x70, s3;
	_ =	swait.ge [sflag:s9], $0x200  }
0x10: {  	s20 =	sor.u32 s21, s20;
	[sflag:s9] =	ssyncset.done $0x0  }
0x11: {  	s31 =	simm.s32 $0x0;
	s20 =	sadd.s32 s20, s5;
	[sflag:s9] =	ssyncadd.s32 $0xFFFFFE00  }
0x12: {  	[tilespmem:s31], [sflag:$0x1] =	stream.strided.gather [hbm4b:s20+s10], $0x200, s11, s10, $0x38;
	[tilespmem:$0x8400] =	vst v63  }
0x13: {  	s21 =	simm.s32 $0x0;
	s20 =	simm.s32 $0x800  }
.LBB2_2:
0x14: {  	s22 =	sand.u32 $0x4000, s20;
	p0 =	sne.s32 s20, $0x7800  }
.Ltmp0:
0x15: {  	s21 =	sadd.s32 $0x10, s21;
	s23 =	smov.u32 s20;
	(pc) =	sbr.rel @p0 .LBB2_2-.Ltmp0, $4  }
0x16: {  	s20 =	sadd.s32 $0x800, s20;
	s24 =	sand.u32 $0x70, s21  }
0x17: {  	s22 =	sor.u32 s24, s22  }
0x18: {  	s23 =	sshra.s32 s23, $0x2;
	s22 =	sadd.s32 s22, s5  }
0x19: {  	[tilespmem:s23], [sflag:$0x1] =	stream.strided.gather [hbm4b:s22+s10], $0x200, s11, s10, $0x38;
	[tilespmem:$0x8400] =	vst v63  }
0x1a: {  	_ =	swait.ge [sflag:s12], $0x2000;
	s21 =	simm.s32 $0x8000;
	s20 =	simm.s32 $0x100  }
0x1b: {  	[sflag:s12] =	ssyncset.done $0x0;
	s21 =	sand.u32 $0xC000, s21;
	s22 =	sand.u32 $0x70, s20  }
0x1c: {  	[sflag:s12] =	ssyncadd.s32 $0xFFFFE000;
	s21 =	sor.u32 s22, s21  }
0x1d: {  	[tilespmem:s14], [sflag:$0x2] =	stream.indirect.gather [hbm4b:s2+s13], $0x1, s3, s13, $0xb8;
	[tilespmem:$0x8400] =	vst v63  }
0x1e: {  	s31 =	simm.s32 $0x2000;
	s21 =	sadd.s32 s21, s5  }
0x1f: {  	[tilespmem:s31], [sflag:$0x1] =	stream.strided.gather [hbm4b:s21+s10], $0x200, s11, s10, $0x38;
	[tilespmem:$0x8400] =	vst v63  }
0x20: {  	s21 =	simm.s32 $0x8800  }
.LBB2_4:
0x21: {  	s22 =	sand.u32 $0xC000, s21;
	p0 =	sne.s32 s21, $0xF800  }
.Ltmp1:
0x22: {  	s20 =	sadd.s32 $0x10, s20;
	s23 =	smov.u32 s21;
	(pc) =	sbr.rel @p0 .LBB2_4-.Ltmp1, $4  }
0x23: {  	s21 =	sadd.s32 $0x800, s21;
	s24 =	sand.u32 $0x70, s20  }
0x24: {  	s22 =	sor.u32 s24, s22  }
0x25: {  	s23 =	sshra.s32 s23, $0x2;
	s22 =	sadd.s32 s22, s5  }
0x26: {  	[tilespmem:s23], [sflag:$0x1] =	stream.strided.gather [hbm4b:s22+s10], $0x200, s11, s10, $0x38;
	[tilespmem:$0x8400] =	vst v63  }
0x27: {  	_ =	swait.ge [sflag:s12], $0x2000  }
0x28: {  	[sflag:s12] =	ssyncset.done $0x0  }
0x29: {  	[sflag:s12] =	ssyncadd.s32 $0xFFFFE000  }
0x2a: {  	[tilespmem:s15], [sflag:$0x3] =	stream.indirect.gather [hbm4b:s2+s13], $0x1, s13, s13, $0xb8;
	[tilespmem:$0x8400] =	vst v63  }
0x2b: {  	_ =	swait.ge [sflag:s16], $0x2000  }
0x2c: {  	s20 =	simm.s32 $0x0;
	[sflag:s16] =	ssyncset.done $0x0  }
0x2d: {  	s20 =	sand.u32 $0x1F0, s20;
	[sflag:s16] =	ssyncadd.s32 $0xFFFFE000  }
0x2e: {  	s21 =	simm.s32 $0x8000;
	v0 =	vld [tilespmem:s20+$0x4000]  }
0x2f: {  	v1 =	vld [tilespmem:s21+$0x0];
	_ =	sdelay $0x1  }
0x30: {  	v2 =	vld [tilespmem:s20+$0x4200];
	_ =	sdelay $0x1  }
0x31: {  	v3 =	vld [tilespmem:s20+$0x4400]  }
0x32: {  	v0 =	vmul.f32 v0, v1  }
0x33: {  	v1 =	vld [tilespmem:s20+$0x4600]  }
0x34: {  	v0 =	vmul.f32 v2, v0  }
0x35: {  	v2 =	vld [tilespmem:s20+$0x4800]  }
0x36: {  	v0 =	vmul.f32 v3, v0  }
0x37: {  	v3 =	vld [tilespmem:s20+$0x4A00]  }
0x38: {  	v0 =	vmul.f32 v1, v0  }
0x39: {  	v1 =	vld [tilespmem:s20+$0x4C00]  }
0x3a: {  	v0 =	vmul.f32 v2, v0  }
0x3b: {  	v2 =	vld [tilespmem:s20+$0x4E00]  }
0x3c: {  	v0 =	vmul.f32 v3, v0  }
0x3d: {  	v3 =	vld [tilespmem:s20+$0x5000]  }
0x3e: {  	v0 =	vmul.f32 v1, v0  }
0x3f: {  	v1 =	vld [tilespmem:s20+$0x5200]  }
0x40: {  	v0 =	vmul.f32 v2, v0  }
0x41: {  	v2 =	vld [tilespmem:s20+$0x5400]  }
0x42: {  	v0 =	vmul.f32 v3, v0  }
0x43: {  	v3 =	vld [tilespmem:s20+$0x5600]  }
0x44: {  	v0 =	vmul.f32 v1, v0  }
0x45: {  	v1 =	vld [tilespmem:s20+$0x5800]  }
0x46: {  	v0 =	vmul.f32 v2, v0  }
0x47: {  	v2 =	vld [tilespmem:s20+$0x5A00]  }
0x48: {  	v0 =	vmul.f32 v3, v0  }
0x49: {  	v3 =	vld [tilespmem:s20+$0x5C00]  }
0x4a: {  	v0 =	vmul.f32 v1, v0  }
0x4b: {  	v1 =	vld [tilespmem:s20+$0x5E00]  }
0x4c: {  	v0 =	vmul.f32 v2, v0;
	_ =	sdelay $0x1  }
0x4d: {  	v0 =	vmul.f32 v3, v0;
	_ =	sdelay $0x1  }
0x4e: {  	v0 =	vmul.f32 v1, v0  }
0x4f: {  	s31 =	simm.s32 $0x10;
	s20 =	simm.s32 $0x8200  }
0x50: {  	s21 =	sand.u32 $0x1F0, s31;
	[tilespmem:s20+$0x0] =	vst v0  }
0x51: {  	s23 =	simm.s32 $0x20;
	s22 =	simm.s32 $0x8010;
	v0 =	vld [tilespmem:s21+$0x4000]  }
.LBB2_6:
0x52: {  	p0 =	sne.s32 s23, $0x1F0;
	v1 =	vld [tilespmem:s22+$0x0];
	_ =	sdelay $0x1  }
0x53: {  	v2 =	vld [tilespmem:s21+$0x4200];
	_ =	sdelay $0x1  }
0x54: {  	v3 =	vld [tilespmem:s21+$0x4400]  }
0x55: {  	v0 =	vmul.f32 v0, v1  }
0x56: {  	v1 =	vld [tilespmem:s21+$0x4600]  }
0x57: {  	v0 =	vmul.f32 v2, v0  }
0x58: {  	v2 =	vld [tilespmem:s21+$0x4800]  }
0x59: {  	v0 =	vmul.f32 v3, v0  }
0x5a: {  	v3 =	vld [tilespmem:s21+$0x4A00]  }
0x5b: {  	v0 =	vmul.f32 v1, v0  }
0x5c: {  	v1 =	vld [tilespmem:s21+$0x4C00]  }
0x5d: {  	v0 =	vmul.f32 v2, v0  }
0x5e: {  	v2 =	vld [tilespmem:s21+$0x4E00]  }
0x5f: {  	v0 =	vmul.f32 v3, v0  }
0x60: {  	v3 =	vld [tilespmem:s21+$0x5000]  }
0x61: {  	v0 =	vmul.f32 v1, v0  }
0x62: {  	v1 =	vld [tilespmem:s21+$0x5200]  }
0x63: {  	v0 =	vmul.f32 v2, v0  }
0x64: {  	v2 =	vld [tilespmem:s21+$0x5400]  }
0x65: {  	v0 =	vmul.f32 v3, v0  }
0x66: {  	v3 =	vld [tilespmem:s21+$0x5600]  }
0x67: {  	v0 =	vmul.f32 v1, v0  }
0x68: {  	v1 =	vld [tilespmem:s21+$0x5800]  }
0x69: {  	v0 =	vmul.f32 v2, v0  }
0x6a: {  	v2 =	vld [tilespmem:s21+$0x5A00]  }
0x6b: {  	v0 =	vmul.f32 v3, v0  }
0x6c: {  	v3 =	vld [tilespmem:s21+$0x5C00]  }
0x6d: {  	v0 =	vmul.f32 v1, v0  }
0x6e: {  	v1 =	vld [tilespmem:s21+$0x5E00]  }
0x6f: {  	v0 =	vmul.f32 v2, v0;
	_ =	sdelay $0x1  }
0x70: {  	v0 =	vmul.f32 v3, v0  }
.Ltmp2:
0x71: {  	(pc) =	sbr.rel @p0 .LBB2_6-.Ltmp2, $4  }
0x72: {  	v0 =	vmul.f32 v1, v0  }
0x73: {  	s20 =	sadd.s32 $0x10, s20  }
0x74: {  	s21 =	sand.u32 $0x1F0, s23;
	[tilespmem:s20+$0x0] =	vst v0  }
0x75: {  	s22 =	sadd.s32 $0x10, s22;
	s23 =	sadd.s32 $0x10, s23;
	v0 =	vld [tilespmem:s21+$0x4000]  }
0x76: {  	v1 =	vld [tilespmem:s22+$0x0];
	_ =	sdelay $0x1  }
0x77: {  	v2 =	vld [tilespmem:s21+$0x4200];
	_ =	sdelay $0x1  }
0x78: {  	v3 =	vld [tilespmem:s21+$0x4400]  }
0x79: {  	v0 =	vmul.f32 v0, v1  }
0x7a: {  	v1 =	vld [tilespmem:s21+$0x4600]  }
0x7b: {  	v0 =	vmul.f32 v2, v0  }
0x7c: {  	v2 =	vld [tilespmem:s21+$0x4800]  }
0x7d: {  	v0 =	vmul.f32 v3, v0  }
0x7e: {  	v3 =	vld [tilespmem:s21+$0x4A00]  }
0x7f: {  	v0 =	vmul.f32 v1, v0  }
0x80: {  	v1 =	vld [tilespmem:s21+$0x4C00]  }
0x81: {  	v0 =	vmul.f32 v2, v0  }
0x82: {  	v2 =	vld [tilespmem:s21+$0x4E00]  }
0x83: {  	v0 =	vmul.f32 v3, v0  }
0x84: {  	v3 =	vld [tilespmem:s21+$0x5000]  }
0x85: {  	v0 =	vmul.f32 v1, v0  }
0x86: {  	v1 =	vld [tilespmem:s21+$0x5200]  }
0x87: {  	v0 =	vmul.f32 v2, v0  }
0x88: {  	v2 =	vld [tilespmem:s21+$0x5400]  }
0x89: {  	v0 =	vmul.f32 v3, v0  }
0x8a: {  	v3 =	vld [tilespmem:s21+$0x5600]  }
0x8b: {  	v0 =	vmul.f32 v1, v0  }
0x8c: {  	v1 =	vld [tilespmem:s21+$0x5800]  }
0x8d: {  	v0 =	vmul.f32 v2, v0  }
0x8e: {  	v2 =	vld [tilespmem:s21+$0x5A00]  }
0x8f: {  	v0 =	vmul.f32 v3, v0  }
0x90: {  	v3 =	vld [tilespmem:s21+$0x5C00]  }
0x91: {  	v0 =	vmul.f32 v1, v0  }
0x92: {  	v1 =	vld [tilespmem:s21+$0x5E00]  }
0x93: {  	v0 =	vmul.f32 v2, v0;
	_ =	sdelay $0x1  }
0x94: {  	v0 =	vmul.f32 v3, v0;
	_ =	sdelay $0x1  }
0x95: {  	v0 =	vmul.f32 v1, v0  }
0x96: {  	s20 =	sadd.s32 $0x10, s20  }
0x97: {  	[tilespmem:s20+$0x0] =	vst v0  }
0x98: {  	_ =	swait.ge [sflag:s17], $0x2000  }
0x99: {  	s31 =	simm.s32 $0x0;
	[sflag:s17] =	ssyncset.done $0x0  }
0x9a: {  	s21 =	sand.u32 $0x1F0, s31;
	[sflag:s17] =	ssyncadd.s32 $0xFFFFE000  }
0x9b: {  	s22 =	simm.s32 $0x10;
	s20 =	simm.s32 $0x8200;
	v0 =	vld [tilespmem:s21+$0x6000]  }
.LBB2_8:
0x9c: {  	p0 =	sne.s32 s22, $0x1F0;
	v1 =	vld [tilespmem:s20+$0x0];
	_ =	sdelay $0x1  }
0x9d: {  	v2 =	vld [tilespmem:s21+$0x6200];
	_ =	sdelay $0x1  }
0x9e: {  	v3 =	vld [tilespmem:s21+$0x6400]  }
0x9f: {  	v0 =	vmul.f32 v0, v1  }
0xa0: {  	v1 =	vld [tilespmem:s21+$0x6600]  }
0xa1: {  	v0 =	vmul.f32 v2, v0  }
0xa2: {  	v2 =	vld [tilespmem:s21+$0x6800]  }
0xa3: {  	v0 =	vmul.f32 v3, v0  }
0xa4: {  	v3 =	vld [tilespmem:s21+$0x6A00]  }
0xa5: {  	v0 =	vmul.f32 v1, v0  }
0xa6: {  	v1 =	vld [tilespmem:s21+$0x6C00]  }
0xa7: {  	v0 =	vmul.f32 v2, v0  }
0xa8: {  	v2 =	vld [tilespmem:s21+$0x6E00]  }
0xa9: {  	v0 =	vmul.f32 v3, v0  }
0xaa: {  	v3 =	vld [tilespmem:s21+$0x7000]  }
0xab: {  	v0 =	vmul.f32 v1, v0  }
0xac: {  	v1 =	vld [tilespmem:s21+$0x7200]  }
0xad: {  	v0 =	vmul.f32 v2, v0  }
0xae: {  	v2 =	vld [tilespmem:s21+$0x7400]  }
0xaf: {  	v0 =	vmul.f32 v3, v0  }
0xb0: {  	v3 =	vld [tilespmem:s21+$0x7600]  }
0xb1: {  	v0 =	vmul.f32 v1, v0  }
0xb2: {  	v1 =	vld [tilespmem:s21+$0x7800]  }
0xb3: {  	v0 =	vmul.f32 v2, v0  }
0xb4: {  	v2 =	vld [tilespmem:s21+$0x7A00]  }
0xb5: {  	v0 =	vmul.f32 v3, v0  }
0xb6: {  	v3 =	vld [tilespmem:s21+$0x7C00]  }
0xb7: {  	v0 =	vmul.f32 v1, v0  }
0xb8: {  	v1 =	vld [tilespmem:s21+$0x7E00]  }
0xb9: {  	v0 =	vmul.f32 v2, v0;
	_ =	sdelay $0x1  }
0xba: {  	v0 =	vmul.f32 v3, v0  }
.Ltmp3:
0xbb: {  	(pc) =	sbr.rel @p0 .LBB2_8-.Ltmp3, $3  }
0xbc: {  	v0 =	vmul.f32 v1, v0;
	_ =	sdelay $0x1  }
0xbd: {  	s21 =	sand.u32 $0x1F0, s22;
	[tilespmem:s20+$0x0] =	vst v0  }
0xbe: {  	s22 =	sadd.s32 $0x10, s22;
	s20 =	sadd.s32 $0x10, s20;
	v0 =	vld [tilespmem:s21+$0x6000]  }
0xbf: {  	v1 =	vld [tilespmem:s20+$0x0];
	_ =	sdelay $0x1  }
0xc0: {  	v2 =	vld [tilespmem:s21+$0x6200];
	_ =	sdelay $0x1  }
0xc1: {  	v3 =	vld [tilespmem:s21+$0x6400]  }
0xc2: {  	v0 =	vmul.f32 v0, v1  }
0xc3: {  	v51 =	vld [tilespmem:s21+$0x6600]  }
0xc4: {  	v0 =	vmul.f32 v2, v0  }
0xc5: {  	v52 =	vld [tilespmem:s21+$0x6800]  }
0xc6: {  	v0 =	vmul.f32 v3, v0  }
0xc7: {  	v53 =	vld [tilespmem:s21+$0x6A00]  }
0xc8: {  	v0 =	vmul.f32 v51, v0  }
0xc9: {  	v54 =	vld [tilespmem:s21+$0x6C00]  }
0xca: {  	v0 =	vmul.f32 v52, v0  }
0xcb: {  	v55 =	vld [tilespmem:s21+$0x6E00]  }
0xcc: {  	v0 =	vmul.f32 v53, v0  }
0xcd: {  	v56 =	vld [tilespmem:s21+$0x7000]  }
0xce: {  	v0 =	vmul.f32 v54, v0  }
0xcf: {  	v57 =	vld [tilespmem:s21+$0x7200]  }
0xd0: {  	v0 =	vmul.f32 v55, v0  }
0xd1: {  	v58 =	vld [tilespmem:s21+$0x7400]  }
0xd2: {  	v0 =	vmul.f32 v56, v0  }
0xd3: {  	v59 =	vld [tilespmem:s21+$0x7600]  }
0xd4: {  	v0 =	vmul.f32 v57, v0  }
0xd5: {  	v60 =	vld [tilespmem:s21+$0x7800]  }
0xd6: {  	v0 =	vmul.f32 v58, v0  }
0xd7: {  	v61 =	vld [tilespmem:s21+$0x7A00]  }
0xd8: {  	v0 =	vmul.f32 v59, v0  }
0xd9: {  	v62 =	vld [tilespmem:s21+$0x7C00]  }
0xda: {  	v0 =	vmul.f32 v60, v0  }
0xdb: {  	v63 =	vld [tilespmem:s21+$0x7E00]  }
0xdc: {  	v0 =	vmul.f32 v61, v0;
	_ =	sdelay $0x1  }
0xdd: {  	v0 =	vmul.f32 v62, v0;
	_ =	sdelay $0x1  }
0xde: {  	s19 =	sadd.s32 $0x1, s19;
	v0 =	vmul.f32 v63, v0  }
0xdf: {  	p0 =	sne.s32 s19, s7  }
.Ltmp4:
0xe0: {  	[tilespmem:s20+$0x0] =	vst v0;
	(pc) =	sbr.rel @p0 .LBB2_1-.Ltmp4, $4  }
0xe1: {  	[hbm4b:s6+s3] =	stream.linear.scatter [tilespmem:s18], [sflag:$0x4], $0x200, $0x38;
	[tilespmem:$0x8400] =	vst v63  }
0xe2: {  	_ =	swait.ge [sflag:s9], $0x200  }
0xe3: {  	[sflag:s9] =	ssyncset.done $0x0  }
0xe4: {  	[sflag:s9] =	ssyncadd.s32 $0xFFFFFE00  }
0xe5: {  	_ =	sfence.sel $0x180000  }
0xe6: {  	[bflag:$0x0] =	sbarrier.arrive $0xFFFF  }
0xe7: {  	p0 =	sne.s32 s1, $0x0;
	_ =	strace $0x90000047  }
0xe8: {  	s0 =	sadd.s32 @!p0 $0x100000, s0;
	[bflag:$0x2] =	sbarrier.arrive $0xFFFF  }
0xe9: {  	[sflag:s0] =	ssyncadd.tile.s32 @!p0 $0x1;
	_ =	shalt  }
.Lfunc_end2:
_tile_overlayer_lowered:
.L_overlay_start_2:
0xea: {  	(tag) =	ssettag $0x2  }
0xeb: {  	s0 =	rddreg [dreg:$0x0];
	s2 =	stileid.u32  }
0xec: {  	s1 =	rddreg [dreg:$0x1];
	p0 =	sne.s32 s2, $0x0  }
0xed: {  	s3 =	rddreg [dreg:$0x2];
	[bflag:$0x3] =	sbarrier.arrive $0xFFFF;
	s2 =	simm.s32 @!p0 $0x1C04  }
0xee: {  	[timem:s3], [sflag:s2] =	dma.local @!p0 [hbm:s0], s1  }
0xef: {  	s0 =	simm.s32 @!p0 $0x4  }
0xf0: {  	_ =	swait.ge @!p0 [sflag:s0], s1  }
0xf1: {  	s1 =	ssub.s32 @!p0 $0x0, s1;
	[sflag:s0] =	ssyncset.done @!p0 $0x0  }
0xf2: {  	[sflag:s0] =	ssyncadd.s32 @!p0 s1  }
0xf3: {  	[bflag:$0x3] =	sbarrier.arrive $0xFFFF  }
0xf4: {  	_ =	shalt  }

</sc_bundles>
